<compile_context>
chip_gen: v7x
topology: tpu7x:2x2x1
jax: 0.10.2.dev20260603
libtpu: 0.0.44.dev20260713+nightly
codegen_flags: <defaults>
</compile_context>

<pallas_src>
import jax
import jax.numpy as jnp
from jax.experimental import pallas as pl


def VSC(inputs):
    import functools
    from jax import lax
    from jax.experimental.pallas import tpu as pltpu
    from jax.experimental.pallas import tpu_sc as plsc

    b, d, ch = inputs.shape
    x_t = inputs.transpose(0, 2, 1)
    mesh = plsc.VectorSubcoreMesh(core_axis_name="c", subcore_axis_name="s")

    @functools.partial(
        pl.kernel,
        mesh=mesh,
        out_type=jax.ShapeDtypeStruct((9, b, 1024), jnp.float32),
        scratch_types=[
            pltpu.VMEM((32, 1024), jnp.float32),
            pltpu.VMEM((64, 1024), jnp.float32),
        ],
    )
    def _sc_ed(x_hbm, nan_hbm, ed_hbm, nanbuf, rowbuf):
        wid = lax.axis_index("s") * 2 + lax.axis_index("c")
        pltpu.sync_copy(nan_hbm, nanbuf)
        p = wid // 4
        b0 = (wid % 4) * 1024

        @pl.loop(0, 32)
        def _(i):
            pltpu.sync_copy(nanbuf, ed_hbm.at[p, pl.ds(b0 + i * 32, 32)])

        @pl.loop(0, 2)
        def _(h):
            r0 = wid * 128 + h * 64

            @pl.loop(0, 64)
            def _(j):
                pltpu.sync_copy(x_hbm.at[r0 + j, 7], rowbuf.at[j])

            pltpu.sync_copy(rowbuf, ed_hbm.at[8, pl.ds(r0, 64)])

    nanrows = jnp.full((32, 1024), jnp.nan, jnp.float32)
    ed_t = _sc_ed(x_t, nanrows)

    bb = 256

    def _pd_body(x_ref, pd_ref):
        x = x_ref[...]
        s = jax.lax.broadcasted_iota(jnp.int32, x.shape, 1)
        pd_ref[...] = jnp.where(s == 7, jnp.nan, x)

    pd_t = pl.pallas_call(
        _pd_body,
        grid=(b // bb,),
        in_specs=[pl.BlockSpec((bb, 8, 1024), lambda i: (i, 0, 0))],
        out_specs=pl.BlockSpec((bb, 8, 1024), lambda i: (i, 0, 0)),
        out_shape=jax.ShapeDtypeStruct((b, 8, 1024), jnp.float32),
    )(x_t)
    return pd_t.transpose(0, 2, 1), ed_t.transpose(1, 2, 0)




@jax.jit
def kernel(inputs):
    return VSC(inputs)

# --- scband reference (transcript-rebuilt; emitter-appended) ---
"""Pipeline reference for scband-data-splitter-29137058136813 (READ-ONLY COPY).

The authoritative reference and input builder live on the scoring server;
editing this copy changes nothing except your own understanding.
"""

import jax, jax.numpy as jnp
import numpy as np

PD_FEATURE_LIST = [0, 1, 2, 3, 4, 5, 6]
ED_FEATURE_LIST = [8]


def get_gatherindex(feature_list, numfeatures):
    gatherindex = np.arange(numfeatures) + len(feature_list)
    for ii in range(len(gatherindex)):
        if ii in feature_list:
            gatherindex[ii] = feature_list.index(ii)
    return gatherindex


PD_GATHERINDEX = jnp.asarray(get_gatherindex(PD_FEATURE_LIST, 8), dtype=jnp.int32)
ED_GATHERINDEX = jnp.asarray(get_gatherindex(ED_FEATURE_LIST, 9), dtype=jnp.int32)


def setup_inputs(seed: int = 0) -> dict:
    key = jax.random.key(seed)
    inputs = jax.random.normal(key, (4096, 1024, 8), dtype=jnp.float32)
    return {"inputs": inputs}


def reference(inputs):
    splitindex = len(PD_FEATURE_LIST)  # 7
    pd_part = inputs[:, :, :splitindex]
    ed_part = inputs[:, :, splitindex:]
    b = inputs.shape[0]
    d = inputs.shape[1]
    # dummy channels filled with nan (tile of [1, depth, C] dummy over batch)
    pd_dummy = jnp.full((b, d, 8), jnp.nan, dtype=jnp.float32)
    ed_dummy = jnp.full((b, d, 9), jnp.nan, dtype=jnp.float32)
    pd_temp = jnp.concatenate([pd_part, pd_dummy], axis=-1)
    ed_temp = jnp.concatenate([ed_part, ed_dummy], axis=-1)
    pd = jnp.take(pd_temp, PD_GATHERINDEX, axis=2)
    ed = jnp.take(ed_temp, ED_GATHERINDEX, axis=2)
    return (pd, ed)

if __name__ == "__main__":
    import jax
    _d = setup_inputs()
    print(jax.jit(kernel)(*tuple(_d.values())))

</pallas_src>

<mosaic_0001>
#map = affine_map<(d0, d1) -> (0, 0, 0)>
#map1 = affine_map<(d0, d1) -> (0, 0)>
module attributes {stable_mosaic.version = 14 : i64} {
  func.func @_sc_ed(%arg0: i32, %arg1: i32, %arg2: memref<4096x8x1024xf32, #tpu.memory_space<hbm>>, %arg3: memref<32x1024xf32, #tpu.memory_space<hbm>>, %arg4: memref<9x4096x1024xf32, #tpu.memory_space<hbm>>, %arg5: memref<32x1024xf32, #tpu.memory_space<vmem>>, %arg6: memref<64x1024xf32, #tpu.memory_space<vmem>>) attributes {dimension_semantics = [#tpu.dimension_semantics<core_parallel>, #tpu.dimension_semantics<subcore_parallel>], iteration_bounds = array<i64: 2, 16>, scalar_prefetch = 0 : i64, scratch_operands = 2 : i64, tpu.core_type = #tpu.core_type<sc_vector_subcore>, window_params = [{transform_indices = #map}, {transform_indices = #map1}, {transform_indices = #map}]} {
    %mul3A = arith.constant 2 : i32
    %mul3A_0 = arith.muli %arg1, %mul3A : i32
    %add3A = arith.addi %mul3A_0, %arg0 : i32
    "tpu.region"() ({
      %run_scoped3A = tpu.sem_alloc : memref<!tpu.dma_semaphore, #tpu.memory_space<semaphore_mem>>
      tpu.enqueue_dma source(%arg3 : memref<32x1024xf32, #tpu.memory_space<hbm>>) target(%arg5 : memref<32x1024xf32, #tpu.memory_space<vmem>>) target_semaphore(%run_scoped3A : memref<!tpu.dma_semaphore, #tpu.memory_space<semaphore_mem>>)
      tpu.wait_dma2 semaphore(%run_scoped3A : memref<!tpu.dma_semaphore, #tpu.memory_space<semaphore_mem>>) src(%arg3 : memref<32x1024xf32, #tpu.memory_space<hbm>>) dst(%arg5 : memref<32x1024xf32, #tpu.memory_space<vmem>>)
      tpu.yield
    }) : () -> ()
    %jit3A = arith.constant 4 : i32
    %div3A = arith.divsi %add3A, %jit3A : i32
    %sign3A = arith.constant 0 : i32
    %sign3A_1 = arith.cmpi sgt, %add3A, %sign3A : i32
    %sign3A_2 = arith.extui %sign3A_1 : i1 to i32
    %sign3A_3 = arith.constant 0 : i32
    %sign3A_4 = arith.cmpi slt, %add3A, %sign3A_3 : i32
    %sign3A_5 = arith.extui %sign3A_4 : i1 to i32
    %sign3A_6 = arith.subi %sign3A_2, %sign3A_5 : i32
    %sign3A_7 = arith.constant 0 : i32
    %sign3A_8 = arith.cmpi sgt, %jit3A, %sign3A_7 : i32
    %sign3A_9 = arith.extui %sign3A_8 : i1 to i32
    %sign3A_10 = arith.constant 0 : i32
    %sign3A_11 = arith.cmpi slt, %jit3A, %sign3A_10 : i32
    %sign3A_12 = arith.extui %sign3A_11 : i1 to i32
    %sign3A_13 = arith.subi %sign3A_9, %sign3A_12 : i32
    %ne3A = arith.cmpi ne, %sign3A_6, %sign3A_13 : i32
    %rem3A = arith.remsi %add3A, %jit3A : i32
    %ne3A_14 = arith.constant 0 : i32
    %ne3A_15 = arith.cmpi ne, %rem3A, %ne3A_14 : i32
    %and3A = arith.andi %ne3A, %ne3A_15 : i1
    %sub3A = arith.constant 1 : i32
    %sub3A_16 = arith.subi %div3A, %sub3A : i32
    %select_n3A = arith.select %and3A, %sub3A_16, %div3A : i32
    %jit3A_17 = arith.constant 4 : i32
    %eq3A = arith.constant 0 : i32
    %eq3A_18 = arith.cmpi eq, %jit3A_17, %eq3A : i32
    %jit3A_19 = arith.constant 1 : i32
    %select_n3A_20 = arith.select %eq3A_18, %jit3A_19, %jit3A_17 : i32
    %rem3A_21 = arith.remsi %add3A, %select_n3A_20 : i32
    %ne3A_22 = arith.constant 0 : i32
    %ne3A_23 = arith.cmpi ne, %rem3A_21, %ne3A_22 : i32
    %lt3A = arith.constant 0 : i32
    %lt3A_24 = arith.cmpi slt, %rem3A_21, %lt3A : i32
    %lt3A_25 = arith.constant 0 : i32
    %lt3A_26 = arith.cmpi slt, %select_n3A_20, %lt3A_25 : i32
    %ne3A_27 = arith.xori %lt3A_24, %lt3A_26 : i1
    %and3A_28 = arith.andi %ne3A_27, %ne3A_23 : i1
    %add3A_29 = arith.addi %rem3A_21, %select_n3A_20 : i32
    %select_n3A_30 = arith.select %and3A_28, %add3A_29, %rem3A_21 : i32
    %mul3A_31 = arith.constant 1024 : i32
    %mul3A_32 = arith.muli %select_n3A_30, %mul3A_31 : i32
    %scan3A = arith.constant 0 : i32
    %scan3A_33 = arith.constant 32 : i32
    %scan3A_34 = arith.addi %scan3A, %scan3A_33 : i32
    %scan3A_35 = arith.constant 1 : i32
    scf.for %scan3A_42 = %scan3A to %scan3A_34 step %scan3A_35  : i32 {
      %mul3A_43 = arith.constant 1 : i32
      %mul3A_44 = arith.muli %scan3A_42, %mul3A_43 : i32
      %add3A_45 = arith.constant 0 : i32
      %add3A_46 = arith.addi %add3A_45, %mul3A_44 : i32
      %mul3A_47 = arith.constant 32 : i32
      %mul3A_48 = arith.muli %add3A_46, %mul3A_47 : i32
      %add3A_49 = arith.addi %mul3A_32, %mul3A_48 : i32
      "tpu.region"() ({
        %run_scoped3A = tpu.sem_alloc : memref<!tpu.dma_semaphore, #tpu.memory_space<semaphore_mem>>
        %dma_start3A = arith.constant 0 : i32
        %dma_start3A_50 = tpu.memref_slice %arg4[%select_n3A, %add3A_49, %dma_start3A] : memref<9x4096x1024xf32, #tpu.memory_space<hbm>> -> memref<1x32x1024xf32, #tpu.memory_space<hbm>>
        %dma_start3A_51 = tpu.memref_squeeze %dma_start3A_50 : memref<1x32x1024xf32, #tpu.memory_space<hbm>> -> memref<32x1024xf32, #tpu.memory_space<hbm>>
        %dma_start3A_52 = arith.constant 0 : i32
        %dma_start3A_53 = tpu.memref_slice %arg4[%select_n3A, %add3A_49, %dma_start3A_52] : memref<9x4096x1024xf32, #tpu.memory_space<hbm>> -> memref<1x32x1024xf32, #tpu.memory_space<hbm>>
        %dma_start3A_54 = tpu.memref_squeeze %dma_start3A_53 : memref<1x32x1024xf32, #tpu.memory_space<hbm>> -> memref<32x1024xf32, #tpu.memory_space<hbm>>
        tpu.enqueue_dma source(%arg5 : memref<32x1024xf32, #tpu.memory_space<vmem>>) target(%dma_start3A_54 : memref<32x1024xf32, #tpu.memory_space<hbm>>) target_semaphore(%run_scoped3A : memref<!tpu.dma_semaphore, #tpu.memory_space<semaphore_mem>>)
        %dma_wait3A = arith.constant 0 : i32
        %dma_wait3A_55 = tpu.memref_slice %arg4[%select_n3A, %add3A_49, %dma_wait3A] : memref<9x4096x1024xf32, #tpu.memory_space<hbm>> -> memref<1x32x1024xf32, #tpu.memory_space<hbm>>
        %dma_wait3A_56 = tpu.memref_squeeze %dma_wait3A_55 : memref<1x32x1024xf32, #tpu.memory_space<hbm>> -> memref<32x1024xf32, #tpu.memory_space<hbm>>
        %dma_wait3A_57 = arith.constant 0 : i32
        %dma_wait3A_58 = tpu.memref_slice %arg4[%select_n3A, %add3A_49, %dma_wait3A_57] : memref<9x4096x1024xf32, #tpu.memory_space<hbm>> -> memref<1x32x1024xf32, #tpu.memory_space<hbm>>
        %dma_wait3A_59 = tpu.memref_squeeze %dma_wait3A_58 : memref<1x32x1024xf32, #tpu.memory_space<hbm>> -> memref<32x1024xf32, #tpu.memory_space<hbm>>
        tpu.wait_dma2 semaphore(%run_scoped3A : memref<!tpu.dma_semaphore, #tpu.memory_space<semaphore_mem>>) src(%arg5 : memref<32x1024xf32, #tpu.memory_space<vmem>>) dst(%dma_wait3A_59 : memref<32x1024xf32, #tpu.memory_space<hbm>>)
        tpu.yield
      }) : () -> ()
    }
    %scan3A_36 = arith.constant 32 : i32
    %scan3A_37 = arith.constant 0 : i32
    %scan3A_38 = arith.constant 2 : i32
    %scan3A_39 = arith.addi %scan3A_37, %scan3A_38 : i32
    %scan3A_40 = arith.constant 1 : i32
    scf.for %scan3A_42 = %scan3A_37 to %scan3A_39 step %scan3A_40  : i32 {
      %mul3A_43 = arith.constant 1 : i32
      %mul3A_44 = arith.muli %scan3A_42, %mul3A_43 : i32
      %add3A_45 = arith.constant 0 : i32
      %add3A_46 = arith.addi %add3A_45, %mul3A_44 : i32
      %mul3A_47 = arith.constant 128 : i32
      %mul3A_48 = arith.muli %add3A, %mul3A_47 : i32
      %mul3A_49 = arith.constant 64 : i32
      %mul3A_50 = arith.muli %add3A_46, %mul3A_49 : i32
      %add3A_51 = arith.addi %mul3A_48, %mul3A_50 : i32
      %scan3A_52 = arith.constant 0 : i32
      %scan3A_53 = arith.constant 64 : i32
      %scan3A_54 = arith.addi %scan3A_52, %scan3A_53 : i32
      %scan3A_55 = arith.constant 1 : i32
      scf.for %scan3A_57 = %scan3A_52 to %scan3A_54 step %scan3A_55  : i32 {
        %mul3A_58 = arith.constant 1 : i32
        %mul3A_59 = arith.muli %scan3A_57, %mul3A_58 : i32
        %add3A_60 = arith.constant 0 : i32
        %add3A_61 = arith.addi %add3A_60, %mul3A_59 : i32
        %add3A_62 = arith.addi %add3A_51, %add3A_61 : i32
        %run_scoped3A_63 = arith.constant 7 : i32
        "tpu.region"() ({
          %run_scoped3A_64 = tpu.sem_alloc : memref<!tpu.dma_semaphore, #tpu.memory_space<semaphore_mem>>
          %dma_start3A = arith.constant 0 : i32
          %dma_start3A_65 = tpu.memref_slice %arg6[%add3A_61, %dma_start3A] : memref<64x1024xf32, #tpu.memory_space<vmem>> -> memref<1x1024xf32, #tpu.memory_space<vmem>>
          %dma_start3A_66 = tpu.memref_squeeze %dma_start3A_65 : memref<1x1024xf32, #tpu.memory_space<vmem>> -> memref<1024xf32, #tpu.memory_space<vmem>>
          %dma_start3A_67 = arith.constant 0 : i32
          %dma_start3A_68 = tpu.memref_slice %arg2[%add3A_62, %run_scoped3A_63, %dma_start3A_67] : memref<4096x8x1024xf32, #tpu.memory_space<hbm>> -> memref<1x1x1024xf32, #tpu.memory_space<hbm>>
          %dma_start3A_69 = tpu.memref_squeeze %dma_start3A_68 : memref<1x1x1024xf32, #tpu.memory_space<hbm>> -> memref<1024xf32, #tpu.memory_space<hbm>>
          %dma_start3A_70 = arith.constant 0 : i32
          %dma_start3A_71 = tpu.memref_slice %arg6[%add3A_61, %dma_start3A_70] : memref<64x1024xf32, #tpu.memory_space<vmem>> -> memref<1x1024xf32, #tpu.memory_space<vmem>>
          %dma_start3A_72 = tpu.memref_squeeze %dma_start3A_71 : memref<1x1024xf32, #tpu.memory_space<vmem>> -> memref<1024xf32, #tpu.memory_space<vmem>>
          %dma_start3A_73 = arith.constant 0 : i32
          %dma_start3A_74 = tpu.memref_slice %arg2[%add3A_62, %run_scoped3A_63, %dma_start3A_73] : memref<4096x8x1024xf32, #tpu.memory_space<hbm>> -> memref<1x1x1024xf32, #tpu.memory_space<hbm>>
          %dma_start3A_75 = tpu.memref_squeeze %dma_start3A_74 : memref<1x1x1024xf32, #tpu.memory_space<hbm>> -> memref<1024xf32, #tpu.memory_space<hbm>>
          tpu.enqueue_dma source(%dma_start3A_75 : memref<1024xf32, #tpu.memory_space<hbm>>) target(%dma_start3A_72 : memref<1024xf32, #tpu.memory_space<vmem>>) target_semaphore(%run_scoped3A_64 : memref<!tpu.dma_semaphore, #tpu.memory_space<semaphore_mem>>)
          %dma_wait3A = arith.constant 0 : i32
          %dma_wait3A_76 = tpu.memref_slice %arg6[%add3A_61, %dma_wait3A] : memref<64x1024xf32, #tpu.memory_space<vmem>> -> memref<1x1024xf32, #tpu.memory_space<vmem>>
          %dma_wait3A_77 = tpu.memref_squeeze %dma_wait3A_76 : memref<1x1024xf32, #tpu.memory_space<vmem>> -> memref<1024xf32, #tpu.memory_space<vmem>>
          %dma_wait3A_78 = arith.constant 0 : i32
          %dma_wait3A_79 = tpu.memref_slice %arg2[%add3A_62, %run_scoped3A_63, %dma_wait3A_78] : memref<4096x8x1024xf32, #tpu.memory_space<hbm>> -> memref<1x1x1024xf32, #tpu.memory_space<hbm>>
          %dma_wait3A_80 = tpu.memref_squeeze %dma_wait3A_79 : memref<1x1x1024xf32, #tpu.memory_space<hbm>> -> memref<1024xf32, #tpu.memory_space<hbm>>
          %dma_wait3A_81 = arith.constant 0 : i32
          %dma_wait3A_82 = tpu.memref_slice %arg6[%add3A_61, %dma_wait3A_81] : memref<64x1024xf32, #tpu.memory_space<vmem>> -> memref<1x1024xf32, #tpu.memory_space<vmem>>
          %dma_wait3A_83 = tpu.memref_squeeze %dma_wait3A_82 : memref<1x1024xf32, #tpu.memory_space<vmem>> -> memref<1024xf32, #tpu.memory_space<vmem>>
          %dma_wait3A_84 = arith.constant 0 : i32
          %dma_wait3A_85 = tpu.memref_slice %arg2[%add3A_62, %run_scoped3A_63, %dma_wait3A_84] : memref<4096x8x1024xf32, #tpu.memory_space<hbm>> -> memref<1x1x1024xf32, #tpu.memory_space<hbm>>
          %dma_wait3A_86 = tpu.memref_squeeze %dma_wait3A_85 : memref<1x1x1024xf32, #tpu.memory_space<hbm>> -> memref<1024xf32, #tpu.memory_space<hbm>>
          tpu.wait_dma2 semaphore(%run_scoped3A_64 : memref<!tpu.dma_semaphore, #tpu.memory_space<semaphore_mem>>) src(%dma_wait3A_86 : memref<1024xf32, #tpu.memory_space<hbm>>) dst(%dma_wait3A_83 : memref<1024xf32, #tpu.memory_space<vmem>>)
          tpu.yield
        }) : () -> ()
      }
      %scan3A_56 = arith.constant 64 : i32
      %run_scoped3A = arith.constant 8 : i32
      "tpu.region"() ({
        %run_scoped3A_57 = tpu.sem_alloc : memref<!tpu.dma_semaphore, #tpu.memory_space<semaphore_mem>>
        %dma_start3A = arith.constant 0 : i32
        %dma_start3A_58 = tpu.memref_slice %arg4[%run_scoped3A, %add3A_51, %dma_start3A] : memref<9x4096x1024xf32, #tpu.memory_space<hbm>> -> memref<1x64x1024xf32, #tpu.memory_space<hbm>>
        %dma_start3A_59 = tpu.memref_squeeze %dma_start3A_58 : memref<1x64x1024xf32, #tpu.memory_space<hbm>> -> memref<64x1024xf32, #tpu.memory_space<hbm>>
        %dma_start3A_60 = arith.constant 0 : i32
        %dma_start3A_61 = tpu.memref_slice %arg4[%run_scoped3A, %add3A_51, %dma_start3A_60] : memref<9x4096x1024xf32, #tpu.memory_space<hbm>> -> memref<1x64x1024xf32, #tpu.memory_space<hbm>>
        %dma_start3A_62 = tpu.memref_squeeze %dma_start3A_61 : memref<1x64x1024xf32, #tpu.memory_space<hbm>> -> memref<64x1024xf32, #tpu.memory_space<hbm>>
        tpu.enqueue_dma source(%arg6 : memref<64x1024xf32, #tpu.memory_space<vmem>>) target(%dma_start3A_62 : memref<64x1024xf32, #tpu.memory_space<hbm>>) target_semaphore(%run_scoped3A_57 : memref<!tpu.dma_semaphore, #tpu.memory_space<semaphore_mem>>)
        %dma_wait3A = arith.constant 0 : i32
        %dma_wait3A_63 = tpu.memref_slice %arg4[%run_scoped3A, %add3A_51, %dma_wait3A] : memref<9x4096x1024xf32, #tpu.memory_space<hbm>> -> memref<1x64x1024xf32, #tpu.memory_space<hbm>>
        %dma_wait3A_64 = tpu.memref_squeeze %dma_wait3A_63 : memref<1x64x1024xf32, #tpu.memory_space<hbm>> -> memref<64x1024xf32, #tpu.memory_space<hbm>>
        %dma_wait3A_65 = arith.constant 0 : i32
        %dma_wait3A_66 = tpu.memref_slice %arg4[%run_scoped3A, %add3A_51, %dma_wait3A_65] : memref<9x4096x1024xf32, #tpu.memory_space<hbm>> -> memref<1x64x1024xf32, #tpu.memory_space<hbm>>
        %dma_wait3A_67 = tpu.memref_squeeze %dma_wait3A_66 : memref<1x64x1024xf32, #tpu.memory_space<hbm>> -> memref<64x1024xf32, #tpu.memory_space<hbm>>
        tpu.wait_dma2 semaphore(%run_scoped3A_57 : memref<!tpu.dma_semaphore, #tpu.memory_space<semaphore_mem>>) src(%arg6 : memref<64x1024xf32, #tpu.memory_space<vmem>>) dst(%dma_wait3A_67 : memref<64x1024xf32, #tpu.memory_space<hbm>>)
        tpu.yield
      }) : () -> ()
    }
    %scan3A_41 = arith.constant 2 : i32
    return
  }
}

module attributes {stable_mosaic.version = 14 : i64} {
  func.func @_pd_body(%arg0: i32, %arg1: memref<256x8x1024xf32, #tpu.memory_space<vmem>>, %arg2: memref<256x8x1024xf32, #tpu.memory_space<vmem>>) attributes {dimension_semantics = [#tpu.dimension_semantics<arbitrary>], iteration_bounds = array<i64: 16>, scalar_prefetch = 0 : i64, scratch_operands = 0 : i64, tpu.core_type = #tpu.core_type<tc>, window_params = [{transform_indices = @transform_0, window_bounds = array<i64: 256, 8, 1024>}, {transform_indices = @transform_1, window_bounds = array<i64: 256, 8, 1024>}]} {
    %get3A = arith.constant 0 : index
    %get3A_0 = arith.constant 0 : index
    %get3A_1 = arith.constant 0 : index
    %get3A_2 = vector.load %arg1[%get3A, %get3A_0, %get3A_1] : memref<256x8x1024xf32, #tpu.memory_space<vmem>>, vector<256x8x1024xf32>
    %iota3A = tpu.iota {dimensions = array<i32: 1>} : vector<256x8x1024xi32>
    %eq3A = arith.constant 7 : i32
    %eq3A_3 = vector.broadcast %eq3A : i32 to vector<256x8x1024xi32>
    %eq3A_4 = arith.cmpi eq, %iota3A, %eq3A_3 : vector<256x8x1024xi32>
    %jit3A = arith.constant 0x7FC00000 : f32
    %broadcast_in_dim3A = vector.broadcast %jit3A : f32 to vector<256x8x1024xf32>
    %select_n3A = arith.select %eq3A_4, %broadcast_in_dim3A, %get3A_2 : vector<256x8x1024xi1>, vector<256x8x1024xf32>
    %swap3A = arith.constant 0 : index
    %swap3A_5 = arith.constant 0 : index
    %swap3A_6 = arith.constant 0 : index
    %swap3A_7 = vector.load %arg2[%swap3A, %swap3A_5, %swap3A_6] : memref<256x8x1024xf32, #tpu.memory_space<vmem>>, vector<256x8x1024xf32>
    tpu.vector_store %arg2[%swap3A, %swap3A_5, %swap3A_6], %select_n3A {strides = array<i32>} : memref<256x8x1024xf32, #tpu.memory_space<vmem>>, vector<256x8x1024xf32>,
    return
  }
  func.func @transform_0(%arg0: i32) -> (i32, i32, i32) {
    %c0_i32 = arith.constant 0 : i32
    %c0_i32_0 = arith.constant 0 : i32
    %c0_i32_1 = arith.constant 0 : i32
    return %arg0, %c0_i32, %c0_i32_0 : i32, i32, i32
  }
  func.func @transform_1(%arg0: i32) -> (i32, i32, i32) {
    %c0_i32 = arith.constant 0 : i32
    %c0_i32_0 = arith.constant 0 : i32
    %c0_i32_1 = arith.constant 0 : i32
    return %arg0, %c0_i32, %c0_i32_0 : i32, i32, i32
  }
}

</mosaic_0001>

<sc_bundles>
// kernel: kernel.4.cloned.1.call-start
scs
__scs_entry_jumppad:
0x0: {  	(pc) =	sbr.rel $0x88, $3  }
0x1: {  	(tag) =	ssettag $0x0;
	lr =	simm.s32 $0x1  }
0x2: {  	[smem:$0x3FA0] =	sst lr;
	_ =	strace $0xD0000000  }
0x3: {  	_ = 	snop  }
0x4: {  	_ = 	snop  }
0x5: {  	_ = 	snop  }
0x6: {  	_ = 	snop  }
0x7: {  	_ = 	snop  }
__scs_overlays_trampoline_lowered:
0x8: {  	[smem:$0x3FAF] =	sst s0  }
0x9: {  	[smem:$0x3FB0] =	sst s1  }
0xa: {  	[smem:$0x3FB1] =	sst s2  }
0xb: {  	[smem:$0x3FB2] =	sst s3  }
0xc: {  	[smem:$0x3FB3] =	sst s4  }
0xd: {  	[smem:$0x3FB4] =	sst s5  }
0xe: {  	[smem:$0x3FB5] =	sst s6  }
0xf: {  	[smem:$0x3FB6] =	sst s7  }
0x10: {  	[smem:$0x3FB7] =	sst s8  }
0x11: {  	[smem:$0x3FB8] =	sst s9;
	s0 =	simm.s32 @!p0 $0x0  }
0x12: {  	s1 =	sld [smem:$0x3F9E];
	s0 =	simm.s32 @p0 $0x1  }
0x13: {  	[smem:$0x3FB9] =	sst s0;
	s0 =	simm.s32 @!p1 $0x0  }
0x14: {  	s2 =	sld [smem:$0x3F9D];
	s0 =	simm.s32 @p1 $0x1  }
0x15: {  	[smem:$0x3FBA] =	sst s0;
	s0 =	simm.s32 @!p2 $0x0  }
0x16: {  	s3 =	sld [smem:$0x3FDB];
	s0 =	simm.s32 @p2 $0x1  }
0x17: {  	s4 =	simm.s32 $0x1BF5;
	[smem:$0x3FBC] =	sst s0  }
0x18: {  	s0 =	sld [smem:$0x3F9F];
	_ =	swait.ge [sflag:s4], $0x0  }
0x19: {  	s7 =	sld [smem:$0x3FA0]  }
0x1a: {  	s8 =	sadd.s32 $0xFFFFE003, lr  }
0x1b: {  	s9 =	sadd.s32 $0xFFFFFEF7, lr;
	s5 =	simm.s32 $0xFFFFFFFF;
	p2 =	slt.u32 s8, $0xFFFFF086  }
0x1c: {  	p1 =	slt.u32 s9, $0xF7A;
	s5 =	simm.s32 @!p2 $0x0  }
0x1d: {  	s5 =	simm.s32 @p1 $0x1;
	p0 =	seq.s32 s7, s2  }
0x1e: {  	s7 =	smul.u32 @!p0 $0xF7A, s2;
	p2 =	seq.s32 @!p0 s5, $0x0  }
0x1f: {  	s9 =	smul.u32 $0xF7A, s1;
	s8 =	simm.s32 @!p0 $0x1BF5;
	p2 =	por !p2, p0  }
0x20: {  	[sflag:s8] =	ssyncset.s32 @!p0 $0xFFFFF086;
	s6 =	sadd.s32 @!p0 s3, s7;
	s7 =	simm.s32 @!p0 $0x108  }
0x21: {  	s3 =	sadd.s32 s3, s9;
	s6 =	sadd.s32 @!p0 $0x88, s6;
	s7 =	simm.s32 @p2 $0x1082  }
0x22: {  	[simem:s7], [sflag:s8] =	dma.local @!p0 [hbm:s6], $0xF7A  }
0x23: {  	s9 =	sor.u32 $0xD0000000, s2;
	s6 =	simm.s32 $0x108;
	_ =	swait.ge @!p0 [sflag:s8], $0x0  }
0x24: {  	s3 =	sadd.s32 $0x88, s3;
	s6 =	simm.s32 @!p1 $0x1082;
	[sflag:s4] =	ssyncset.s32 $0xFFFFF086  }
0x25: {  	[simem:s6], [sflag:s4] =	dma.local [hbm:s3], $0xF7A  }
0x26: {  	[smem:$0x3FA0] =	sst s1;
	(tag) =	ssettag s2;
	_ =	strace s9  }
0x27: {  	s1 =	sld [smem:$0x3FB0]  }
0x28: {  	s2 =	sld [smem:$0x3FB1]  }
0x29: {  	s4 =	sld [smem:$0x3FB3]  }
0x2a: {  	p0 =	seq.s32 s5, $0x0;
	s5 =	sld [smem:$0x3FB4]  }
0x2b: {  	s6 =	sld [smem:$0x3FB5]  }
0x2c: {  	s7 =	sld [smem:$0x3FB6]  }
0x2d: {  	s3 =	simm.s32 $0x108;
	s8 =	sld [smem:$0x3FB7]  }
0x2e: {  	s3 =	simm.s32 @!p0 $0x1082;
	s9 =	sld [smem:$0x3FB8]  }
0x2f: {  	lr =	sadd.s32 s0, s3;
	s0 =	sld [smem:$0x3FAF]  }
0x30: {  	s3 =	sld [smem:$0x3FB2]  }
0x31: {  	[smem:$0x3FBB] =	sst s10  }
0x32: {  	s10 =	sld [smem:$0x3FB9];
	_ =	sdelay $0x3  }
0x33: {  	p0 =	seq.s32 s10, $0x1;
	s10 =	sld [smem:$0x3FBB];
	_ =	sdelay $0x3  }
0x34: {  	[smem:$0x3FBB] =	sst s10  }
0x35: {  	s10 =	sld [smem:$0x3FBA];
	_ =	sdelay $0x3  }
0x36: {  	p1 =	seq.s32 s10, $0x1;
	s10 =	sld [smem:$0x3FBB];
	_ =	sdelay $0x3  }
0x37: {  	[smem:$0x3FBB] =	sst s10  }
0x38: {  	s10 =	sld [smem:$0x3FBC]  }
0x39: {  	_ = 	snop;
	(pc) =	sbr.ind lr, $3  }
0x3a: {  	_ = 	snop  }
0x3b: {  	_ = 	snop  }
0x3c: {  	p2 =	seq.s32 s10, $0x1;
	s10 =	sld [smem:$0x3FBB]  }
0x3d: {  	_ =	shalt  }
0x3e: {  	_ =	shalt  }
0x3f: {  	_ =	shalt  }
0x40: {  	_ =	shalt  }
0x41: {  	_ =	shalt  }
0x42: {  	_ =	shalt  }
0x43: {  	_ =	shalt  }
0x44: {  	_ =	shalt  }
0x45: {  	_ =	shalt  }
0x46: {  	_ =	shalt  }
0x47: {  	_ =	shalt  }
0x48: {  	_ =	shalt  }
0x49: {  	_ =	shalt  }
0x4a: {  	_ =	shalt  }
0x4b: {  	_ =	shalt  }
0x4c: {  	_ =	shalt  }
0x4d: {  	_ =	shalt  }
0x4e: {  	_ =	shalt  }
0x4f: {  	_ =	shalt  }
0x50: {  	_ =	shalt  }
0x51: {  	_ =	shalt  }
0x52: {  	_ =	shalt  }
0x53: {  	_ =	shalt  }
0x54: {  	_ =	shalt  }
0x55: {  	_ =	shalt  }
0x56: {  	_ =	shalt  }
0x57: {  	_ =	shalt  }
0x58: {  	_ =	shalt  }
0x59: {  	_ =	shalt  }
0x5a: {  	_ =	shalt  }
0x5b: {  	_ =	shalt  }
0x5c: {  	_ =	shalt  }
0x5d: {  	_ =	shalt  }
0x5e: {  	_ =	shalt  }
0x5f: {  	_ =	shalt  }
0x60: {  	_ =	shalt  }
0x61: {  	_ =	shalt  }
0x62: {  	_ =	shalt  }
0x63: {  	_ =	shalt  }
0x64: {  	_ =	shalt  }
0x65: {  	_ =	shalt  }
0x66: {  	_ =	shalt  }
0x67: {  	_ =	shalt  }
0x68: {  	_ =	shalt  }
0x69: {  	_ =	shalt  }
0x6a: {  	_ =	shalt  }
0x6b: {  	_ =	shalt  }
0x6c: {  	_ =	shalt  }
0x6d: {  	_ =	shalt  }
0x6e: {  	_ =	shalt  }
0x6f: {  	_ =	shalt  }
0x70: {  	_ =	shalt  }
0x71: {  	_ =	shalt  }
0x72: {  	_ =	shalt  }
0x73: {  	_ =	shalt  }
0x74: {  	_ =	shalt  }
0x75: {  	_ =	shalt  }
0x76: {  	_ =	shalt  }
0x77: {  	_ =	shalt  }
0x78: {  	_ =	shalt  }
0x79: {  	_ =	shalt  }
0x7a: {  	_ =	shalt  }
0x7b: {  	_ =	shalt  }
0x7c: {  	_ =	shalt  }
0x7d: {  	_ =	shalt  }
0x7e: {  	_ =	shalt  }
0x7f: {  	_ =	shalt  }
0x80: {  	_ =	shalt  }
0x81: {  	_ =	shalt  }
0x82: {  	_ =	shalt  }
0x83: {  	_ =	shalt  }
0x84: {  	_ =	shalt  }
0x85: {  	_ =	shalt  }
0x86: {  	_ =	shalt  }
0x87: {  	_ =	shalt  }
.Lfunc_end0:
.L_simem_size_0:
called_computation_lowered:
.L_overlay_start_0:
0x88: {  	s2 =	sld [smem:$0x3FD9]  }
0x89: {  	s3 =	sld [smem:$0x3FFE];
	_ =	sdelay $0x1  }
0x8a: {  	s1 =	srdreg.scid  }
0x8b: {  	s0 =	sand.u32 $0x1, s1  }
0x8c: {  	s14 =	sshll.u32 s0, $0xA;
	s2 =	sadd.s32 s3, s2  }
0x8d: {  	s2 =	sadd.s32 s2, s14  }
0x8e: {  	[smem:$0x3FC7] =	sst s2  }
0x8f: {  	_ = 	snop  }
0x90: {  	s2 =	sld [smem:$0x3FD0];
	_ =	sdelay $0x2  }
0x91: {  	s4 =	simm.s32 $0xA;
	s5 =	simm.s32 $0x10;
	s15 =	sld [smem:$0x3FC9]  }
0x92: {  	[smem:s5], [sflag:s4] =	dma.local [hbm:s2], $0x1  }
0x93: {  	_ =	swait.eq [sflag:s4], $0x1  }
0x94: {  	[sflag:s4] =	ssyncset.done $0x0  }
0x95: {  	[sflag:s4] =	ssyncadd.s32 $0xFFFFFFFF  }
0x96: {  	s16 =	sld [smem:$0x11];
	(tm) =	ssettm $0x1  }
0x97: {  	s17 =	sld [smem:$0x3FFB];
	_ =	sdelay $0x3  }
0x98: {  	_ =	strace s17  }
0x99: {  	s4 =	sld [smem:$0x3FFC];
	_ =	sdelay $0x3  }
0x9a: {  	_ =	strace s4  }
0x9b: {  	s4 =	sld [smem:$0x3FFD];
	_ =	sdelay $0x3  }
0x9c: {  	_ =	strace s4  }
0x9d: {  	_ =	strace $0x8FFFFFFF  }
0x9e: {  	s18 =	sld [smem:$0x3FDB];
	_ =	sdelay $0x1  }
0x9f: {  	s19 =	simm.s32 $_scs_section_size  }
0xa0: {  	s6 =	simm.s32 $_size__tile_overlayer_lowered;
	s7 =	simm.s32 $_tile_overlayer_lowered  }
0xa1: {  	s22 =	simm.s32 $0x1BFF;
	s21 =	sshll.u32 s7, $0x1;
	s4 =	sadd.s32 s19, s18  }
0xa2: {  	s8 =	simm.s32 $0x0;
	s20 =	sshll.u32 s6, $0x1;
	s6 =	sadd.s32 s21, s4  }
0xa3: {  	[timem:s8], [sflag:s22] =	dma.local [hbm:s6], s20  }
0xa4: {  	_ =	swait.ge [sflag:s22], s20  }
0xa5: {  	s5 =	ssub.s32 $0x0, s20;
	[sflag:s22] =	ssyncset.done $0x0  }
0xa6: {  	[sflag:s22] =	ssyncadd.s32 s5;
	_ =	sdelay $0x1  }
0xa7: {  	s23 =	simm.s32 $0x1B8B  }
0xa8: {  	_ =	swait.ge [sflag:s23], $0x1  }
0xa9: {  	[sflag:s23] =	ssyncset.done $0x0  }
0xaa: {  	s25 =	simm.s32 $0x1B8E;
	s24 =	sld [smem:$0x3FFE];
	[sflag:s23] =	ssyncadd.s32 $0xFFFFFFFF  }
0xab: {  	s26 =	simm.s32 $execute0_lowered;
	[smem:$0x3FD2] =	sst s25  }
0xac: {  	s6 =	sshll.u32 s26, $0x1;
	_ =	strace $0x80000046;
	[dreg:$0x1] =	wrdreg $0xFFFFFFFF  }
0xad: {  	s28 =	simm.s32 $_size_execute0_lowered;
	s4 =	sadd.s32 s4, s6;
	[dreg:$0x0] =	wrdreg $0x0  }
0xae: {  	s6 =	sshll.u32 s28, $0x1;
	[dreg:$0x2] =	wrdreg s4  }
0xaf: {  	[dreg:$0x3] =	wrdreg s6  }
0xb0: {  	[dreg:$0x4] =	wrdreg $0xC0  }
0xb1: {  	_ =	task [dreg:s8], $0x5FFFF  }
0xb2: {  	[dreg:$0x1] =	wrdreg $0xFFFFFFFF  }
0xb3: {  	[dreg:$0x0] =	wrdreg $0x60  }
0xb4: {  	[dreg:$0x2] =	wrdreg s15  }
0xb5: {  	[dreg:$0x3] =	wrdreg s24  }
0xb6: {  	[dreg:$0x4] =	wrdreg s16  }
0xb7: {  	[dreg:$0x5] =	wrdreg $0x9  }
0xb8: {  	_ =	task.clear_ibuf [dreg:s8], $0x6FFFF;
	_ =	strace $0x90000046  }
0xb9: {  	s29 =	simm.s32 $0x9;
	_ =	strace $0x80000048  }
0xba: {  	_ =	swait.ge [sflag:s29], $0x1  }
0xbb: {  	[sflag:s29] =	ssyncadd.s32 $0xFFFFFFFF  }
0xbc: {  	_ =	strace $0x90000048  }
0xbd: {  	_ =	sfence  }
0xbe: {  	s30 =	sld [smem:$0x0];
	_ =	sdelay $0x2  }
0xbf: {  	s31 =	sshll.u32 s1, $0xD;
	s1 =	sshrl.u32 s1, $0x2  }
0xc0: {  	s3 =	sand.u32 $0x4000, s31;
	s1 =	sadd.s32 s1, s30  }
0xc1: {  	s0 =	sor.u32 s3, s0;
	s1 =	sshll.u32 s1, $0x11  }
0xc2: {  	s0 =	sor.u32 s1, s0  }
0xc3: {  	s0 =	sadd.s32 $0x8F2B, s0  }
0xc4: {  	[sflag:s0] =	ssyncadd.remote.s32 $0x1  }
0xc5: {  	_ =	sfence.sel $0xFFFF  }
0xc6: {  	[dreg:$0x0] =	wrdreg $0xFFFFFFFF;
	(pc) =	sbr.abs _section_cstart, $3  }
0xc7: {  	[dreg:$0x1] =	wrdreg $0xFFFFFFFF  }
0xc8: {  	_ =	task.clear_ibuf [dreg:s8], $0x2FFFF;
	_ =	strace $0x9FFFFFFF  }
0xc9: {  	(tm) =	ssettm $0x7FFFFFFF  }
tec
execute0_lowered:
.L_overlay_start_1:
0x0: {  	(tag) =	ssettag $0x1  }
0x1: {  	s7 =	rddreg [dreg:$0x0]  }
0x2: {  	s3 =	rddreg [dreg:$0x1]  }
0x3: {  	s8 =	rddreg [dreg:$0x2]  }
0x4: {  	s0 =	rddreg [dreg:$0x3]  }
0x5: {  	s2 =	simm.s32 $0x0;
	s4 =	srdreg.scid;
	s1 =	stileid.u32  }
0x6: {  	[smem:$0x7FF] =	sst s2;
	s5 =	sand.u32 $0x1, s4;
	s6 =	sshll.u32 s1, $0xF  }
0x7: {  	s3 =	sadd.s32 $0x400, s3;
	s30 =	sshll.u32 s1, $0x12;
	_ =	strace $0x80000047  }
0x8: {  	s4 =	ssub.s32 $0x2, s5;
	s9 =	sshll.u32 s5, $0xE;
	s11 =	sand.u32 $0x380000, s30  }
0x9: {  	s12 =	sshll.u32 s5, $0x11;
	s10 =	sshrl.u32 s4, $0x1;
	s6 =	sor.u32 s9, s6  }
0xa: {  	s31 =	sor.u32 s12, s30;
	s12 =	simm.s32 $0x0;
	s29 =	ssub.s32 s4, s10  }
0xb: {  	s6 =	sadd.s32 s6, s8;
	s8 =	sadd.s32 s11, s8;
	s10 =	sand.u32 $0x60000, s31  }
0xc: {  	s9 =	sadd.s32 s7, s31;
	s11 =	simm.s32 $0x8000;
	s4 =	sadd.s32 $0x402000, s6  }
0xd: {  	s5 =	smax.u32 s29, $0x1;
	s6 =	sadd.s32 $0x400000, s6;
	s7 =	sadd.s32 s10, s8  }
0xe: {  	s8 =	sadd.s32 $0x70, s9;
	s9 =	sadd.s32 $0x10070, s9;
	s10 =	simm.s32 $0x1  }
.LBB2_1:
0xf: {  	[tilespmem:s2], [sflag:$0x1] =	stream.linear.gather [hbm4b:s3+s2], $0x8000, $0x38;
	[tilespmem:$0x18000] =	vst v63  }
0x10: {  	_ =	swait.ge [sflag:s10], $0x8000  }
0x11: {  	[sflag:s10] =	ssyncset.done $0x0  }
0x12: {  	s13 =	sadd.s32 $0x0, s7;
	[sflag:s10] =	ssyncadd.s32 $0xFFFF8000  }
0x13: {  	[hbm4b:s13+s2] =	stream.linear.scatter [tilespmem:s2], [sflag:$0x1], $0x8000, $0x38;
	[tilespmem:$0x18000] =	vst v63  }
0x14: {  	_ =	swait.ge [sflag:s10], $0x8000  }
0x15: {  	s13 =	simm.s32 $0x1000;
	[sflag:s10] =	ssyncset.done $0x0  }
.LBB2_2:
0x16: {  	s15 =	sadd.s32 s13, s7  }
0x17: {  	s14 =	simm.s32 $0x0;
	[sflag:s10] =	ssyncadd.s32 $0xFFFF8000;
	p0 =	sne.s32 s13, $0x1F000  }
0x18: {  	[hbm4b:s15+s14] =	stream.linear.scatter [tilespmem:s14], [sflag:$0x1], $0x8000, $0x38;
	[tilespmem:$0x18000] =	vst v63  }
.Ltmp0:
0x19: {  	_ = 	snop;
	(pc) =	sbr.rel @p0 .LBB2_2-.Ltmp0, $4  }
0x1a: {  	_ = 	snop  }
0x1b: {  	s13 =	sadd.s32 $0x1000, s13  }
0x1c: {  	_ =	swait.ge [sflag:s10], $0x8000  }
0x1d: {  	[sflag:s10] =	ssyncset.done $0x0  }
0x1e: {  	s13 =	sand.u32 $0xE000, s14;
	s19 =	sand.u32 $0x380, s14  }
0x1f: {  	s14 =	sor.u32 s19, s13  }
0x20: {  	[sflag:s10] =	ssyncadd.s32 $0xFFFF8000;
	s15 =	sadd.s32 $0x0, s8;
	s13 =	sadd.s32 $0x8000, s14  }
0x21: {  	[tilespmem:s13], [sflag:$0x1] =	stream.linear.gather [hbm4b:s15+s2], $0x80, $0x38;
	[tilespmem:$0x18000] =	vst v63  }
0x22: {  	s20 =	sadd.s32 $0x80, s15;
	s16 =	sadd.s32 $0x8400, s14  }
0x23: {  	[tilespmem:s16], [sflag:$0x1] =	stream.linear.gather [hbm4b:s20+s2], $0x80, $0x38;
	[tilespmem:$0x18000] =	vst v63  }
0x24: {  	s21 =	sadd.s32 $0x100, s15;
	s22 =	sadd.s32 $0x8800, s14  }
0x25: {  	[tilespmem:s22], [sflag:$0x1] =	stream.linear.gather [hbm4b:s21+s2], $0x80, $0x38;
	[tilespmem:$0x18000] =	vst v63  }
0x26: {  	s23 =	sadd.s32 $0x180, s15;
	s24 =	sadd.s32 $0x8C00, s14  }
0x27: {  	[tilespmem:s24], [sflag:$0x1] =	stream.linear.gather [hbm4b:s23+s2], $0x80, $0x38;
	[tilespmem:$0x18000] =	vst v63  }
0x28: {  	s25 =	sadd.s32 $0x200, s15;
	s26 =	sadd.s32 $0x9000, s14  }
0x29: {  	[tilespmem:s26], [sflag:$0x1] =	stream.linear.gather [hbm4b:s25+s2], $0x80, $0x38;
	[tilespmem:$0x18000] =	vst v63  }
0x2a: {  	s28 =	sadd.s32 $0x280, s15;
	s29 =	sadd.s32 $0x9400, s14  }
0x2b: {  	[tilespmem:s29], [sflag:$0x1] =	stream.linear.gather [hbm4b:s28+s2], $0x80, $0x38;
	[tilespmem:$0x18000] =	vst v63  }
0x2c: {  	s30 =	sadd.s32 $0x300, s15;
	s31 =	sadd.s32 $0x9800, s14  }
0x2d: {  	[tilespmem:s31], [sflag:$0x1] =	stream.linear.gather [hbm4b:s30+s2], $0x80, $0x38;
	[tilespmem:$0x18000] =	vst v63  }
0x2e: {  	s14 =	sadd.s32 $0x9C00, s14;
	s13 =	simm.s32 $0x400;
	s15 =	sadd.s32 $0x380, s15  }
0x2f: {  	[tilespmem:s14], [sflag:$0x1] =	stream.linear.gather [hbm4b:s15+s2], $0x80, $0x38;
	[tilespmem:$0x18000] =	vst v63  }
0x30: {  	s16 =	sand.u32 $0xE000, s13;
	s14 =	simm.s32 $0x80;
	_ =	swait.ge [sflag:s10], $0x400  }
0x31: {  	s15 =	simm.s32 $0x800;
	s17 =	sand.u32 $0x380, s14;
	[sflag:s10] =	ssyncset.done $0x0  }
.LBB2_4:
0x32: {  	s16 =	sor.u32 s17, s16  }
0x33: {  	[sflag:s10] =	ssyncadd.s32 $0xFFFFFC00;
	s17 =	smov.u32 s15;
	s18 =	sadd.s32 $0x400, s15  }
0x34: {  	p0 =	sne.s32 s15, $0xFC00;
	s19 =	sadd.s32 s13, s8;
	s15 =	sadd.s32 $0x8000, s16  }
0x35: {  	[tilespmem:s15], [sflag:$0x1] =	stream.linear.gather [hbm4b:s19+s2], $0x80, $0x38;
	[tilespmem:$0x18000] =	vst v63  }
0x36: {  	s20 =	sadd.s32 $0x8400, s16;
	s13 =	smov.u32 s17;
	s15 =	sadd.s32 $0x80, s19  }
0x37: {  	[tilespmem:s20], [sflag:$0x1] =	stream.linear.gather [hbm4b:s15+s2], $0x80, $0x38;
	[tilespmem:$0x18000] =	vst v63  }
0x38: {  	s17 =	sadd.s32 $0x8800, s16;
	s15 =	sadd.s32 $0x100, s19  }
0x39: {  	[tilespmem:s17], [sflag:$0x1] =	stream.linear.gather [hbm4b:s15+s2], $0x80, $0x38;
	[tilespmem:$0x18000] =	vst v63  }
0x3a: {  	s15 =	sadd.s32 $0x180, s19;
	s17 =	sadd.s32 $0x8C00, s16  }
0x3b: {  	[tilespmem:s17], [sflag:$0x1] =	stream.linear.gather [hbm4b:s15+s2], $0x80, $0x38;
	[tilespmem:$0x18000] =	vst v63  }
0x3c: {  	s15 =	sadd.s32 $0x200, s19;
	s17 =	sadd.s32 $0x9000, s16  }
0x3d: {  	[tilespmem:s17], [sflag:$0x1] =	stream.linear.gather [hbm4b:s15+s2], $0x80, $0x38;
	[tilespmem:$0x18000] =	vst v63  }
0x3e: {  	s15 =	sadd.s32 $0x280, s19;
	s17 =	sadd.s32 $0x9400, s16  }
0x3f: {  	[tilespmem:s17], [sflag:$0x1] =	stream.linear.gather [hbm4b:s15+s2], $0x80, $0x38;
	[tilespmem:$0x18000] =	vst v63  }
0x40: {  	s15 =	sadd.s32 $0x300, s19;
	s17 =	sadd.s32 $0x9800, s16  }
0x41: {  	[tilespmem:s17], [sflag:$0x1] =	stream.linear.gather [hbm4b:s15+s2], $0x80, $0x38;
	[tilespmem:$0x18000] =	vst v63  }
.Ltmp1:
0x42: {  	_ = 	snop;
	(pc) =	sbr.rel @p0 .LBB2_4-.Ltmp1, $4  }
0x43: {  	s14 =	sadd.s32 $0x80, s14;
	s16 =	sadd.s32 $0x9C00, s16;
	s15 =	sadd.s32 $0x380, s19  }
0x44: {  	[tilespmem:s16], [sflag:$0x1] =	stream.linear.gather [hbm4b:s15+s2], $0x80, $0x38;
	[tilespmem:$0x18000] =	vst v63  }
0x45: {  	s17 =	sand.u32 $0x380, s14;
	_ =	swait.ge [sflag:s10], $0x400  }
0x46: {  	s16 =	sand.u32 $0xE000, s13;
	s15 =	smov.u32 s18;
	[sflag:s10] =	ssyncset.done $0x0  }
0x47: {  	s14 =	sor.u32 s17, s16  }
0x48: {  	[sflag:s10] =	ssyncadd.s32 $0xFFFFFC00;
	s13 =	sadd.s32 s13, s8;
	s15 =	sadd.s32 $0x8000, s14  }
0x49: {  	[tilespmem:s15], [sflag:$0x1] =	stream.linear.gather [hbm4b:s13+s2], $0x80, $0x38;
	[tilespmem:$0x18000] =	vst v63  }
0x4a: {  	s17 =	sadd.s32 $0x80, s13;
	s16 =	sadd.s32 $0x8400, s14  }
0x4b: {  	[tilespmem:s16], [sflag:$0x1] =	stream.linear.gather [hbm4b:s17+s2], $0x80, $0x38;
	[tilespmem:$0x18000] =	vst v63  }
0x4c: {  	s18 =	sadd.s32 $0x100, s13;
	s19 =	sadd.s32 $0x8800, s14  }
0x4d: {  	[tilespmem:s19], [sflag:$0x1] =	stream.linear.gather [hbm4b:s18+s2], $0x80, $0x38;
	[tilespmem:$0x18000] =	vst v63  }
0x4e: {  	s20 =	sadd.s32 $0x180, s13;
	s21 =	sadd.s32 $0x8C00, s14  }
0x4f: {  	[tilespmem:s21], [sflag:$0x1] =	stream.linear.gather [hbm4b:s20+s2], $0x80, $0x38;
	[tilespmem:$0x18000] =	vst v63  }
0x50: {  	s22 =	sadd.s32 $0x200, s13;
	s23 =	sadd.s32 $0x9000, s14  }
0x51: {  	[tilespmem:s23], [sflag:$0x1] =	stream.linear.gather [hbm4b:s22+s2], $0x80, $0x38;
	[tilespmem:$0x18000] =	vst v63  }
0x52: {  	s24 =	sadd.s32 $0x280, s13;
	s25 =	sadd.s32 $0x9400, s14  }
0x53: {  	[tilespmem:s25], [sflag:$0x1] =	stream.linear.gather [hbm4b:s24+s2], $0x80, $0x38;
	[tilespmem:$0x18000] =	vst v63  }
0x54: {  	s26 =	sadd.s32 $0x300, s13;
	s28 =	sadd.s32 $0x9800, s14  }
0x55: {  	[tilespmem:s28], [sflag:$0x1] =	stream.linear.gather [hbm4b:s26+s2], $0x80, $0x38;
	[tilespmem:$0x18000] =	vst v63  }
0x56: {  	s14 =	sadd.s32 $0x9C00, s14;
	s13 =	sadd.s32 $0x380, s13  }
0x57: {  	[tilespmem:s14], [sflag:$0x1] =	stream.linear.gather [hbm4b:s13+s2], $0x80, $0x38;
	[tilespmem:$0x18000] =	vst v63  }
0x58: {  	_ =	swait.ge [sflag:s10], $0x400  }
0x59: {  	[sflag:s10] =	ssyncset.done $0x0  }
0x5a: {  	s29 =	simm.s32 $0x0;
	[sflag:s10] =	ssyncadd.s32 $0xFFFFFC00  }
0x5b: {  	[hbm4b:s6+s29] =	stream.linear.scatter [tilespmem:s11], [sflag:$0x1], $0x10000, $0x38;
	[tilespmem:$0x18000] =	vst v63  }
0x5c: {  	s30 =	sand.u32 $0xE000, s29;
	s13 =	sand.u32 $0x380, s29;
	_ =	swait.ge [sflag:s10], $0x10000  }
0x5d: {  	s13 =	sor.u32 s13, s30;
	[sflag:s10] =	ssyncset.done $0x0  }
0x5e: {  	s31 =	sadd.s32 $0x0, s9;
	s14 =	sadd.s32 $0x8000, s13;
	[sflag:s10] =	ssyncadd.s32 $0xFFFF0000  }
0x5f: {  	[tilespmem:s14], [sflag:$0x1] =	stream.linear.gather [hbm4b:s31+s2], $0x80, $0x38;
	[tilespmem:$0x18000] =	vst v63  }
0x60: {  	s17 =	sadd.s32 $0x80, s31;
	s18 =	sadd.s32 $0x8400, s13  }
0x61: {  	[tilespmem:s18], [sflag:$0x1] =	stream.linear.gather [hbm4b:s17+s2], $0x80, $0x38;
	[tilespmem:$0x18000] =	vst v63  }
0x62: {  	s19 =	sadd.s32 $0x100, s31;
	s20 =	sadd.s32 $0x8800, s13  }
0x63: {  	[tilespmem:s20], [sflag:$0x1] =	stream.linear.gather [hbm4b:s19+s2], $0x80, $0x38;
	[tilespmem:$0x18000] =	vst v63  }
0x64: {  	s21 =	sadd.s32 $0x180, s31;
	s22 =	sadd.s32 $0x8C00, s13  }
0x65: {  	[tilespmem:s22], [sflag:$0x1] =	stream.linear.gather [hbm4b:s21+s2], $0x80, $0x38;
	[tilespmem:$0x18000] =	vst v63  }
0x66: {  	s23 =	sadd.s32 $0x200, s31;
	s24 =	sadd.s32 $0x9000, s13  }
0x67: {  	[tilespmem:s24], [sflag:$0x1] =	stream.linear.gather [hbm4b:s23+s2], $0x80, $0x38;
	[tilespmem:$0x18000] =	vst v63  }
0x68: {  	s25 =	sadd.s32 $0x280, s31;
	s26 =	sadd.s32 $0x9400, s13  }
0x69: {  	[tilespmem:s26], [sflag:$0x1] =	stream.linear.gather [hbm4b:s25+s2], $0x80, $0x38;
	[tilespmem:$0x18000] =	vst v63  }
0x6a: {  	s28 =	sadd.s32 $0x300, s31;
	s29 =	sadd.s32 $0x9800, s13  }
0x6b: {  	[tilespmem:s29], [sflag:$0x1] =	stream.linear.gather [hbm4b:s28+s2], $0x80, $0x38;
	[tilespmem:$0x18000] =	vst v63  }
0x6c: {  	s30 =	simm.s32 $0x80;
	s13 =	sadd.s32 $0x9C00, s13;
	s31 =	sadd.s32 $0x380, s31  }
0x6d: {  	[tilespmem:s13], [sflag:$0x1] =	stream.linear.gather [hbm4b:s31+s2], $0x80, $0x38;
	[tilespmem:$0x18000] =	vst v63  }
0x6e: {  	s16 =	sand.u32 $0x380, s30;
	s13 =	simm.s32 $0x400;
	_ =	swait.ge [sflag:s10], $0x400  }
0x6f: {  	s14 =	simm.s32 $0x100;
	s15 =	sand.u32 $0xE000, s13;
	[sflag:s10] =	ssyncset.done $0x0  }
.LBB2_6:
0x70: {  	s15 =	sor.u32 s16, s15  }
0x71: {  	[sflag:s10] =	ssyncadd.s32 $0xFFFFFC00;
	s16 =	smov.u32 s14;
	s17 =	sadd.s32 $0x80, s14  }
0x72: {  	p0 =	sne.s32 s14, $0x1F80;
	s18 =	sadd.s32 s13, s9;
	s14 =	sadd.s32 $0x8000, s15  }
0x73: {  	[tilespmem:s14], [sflag:$0x1] =	stream.linear.gather [hbm4b:s18+s2], $0x80, $0x38;
	[tilespmem:$0x18000] =	vst v63  }
0x74: {  	s19 =	sadd.s32 $0x8400, s15;
	s14 =	sadd.s32 $0x80, s18  }
0x75: {  	[tilespmem:s19], [sflag:$0x1] =	stream.linear.gather [hbm4b:s14+s2], $0x80, $0x38;
	[tilespmem:$0x18000] =	vst v63  }
0x76: {  	s14 =	sadd.s32 $0x100, s18;
	s19 =	sadd.s32 $0x8800, s15  }
0x77: {  	[tilespmem:s19], [sflag:$0x1] =	stream.linear.gather [hbm4b:s14+s2], $0x80, $0x38;
	[tilespmem:$0x18000] =	vst v63  }
0x78: {  	s14 =	sadd.s32 $0x180, s18;
	s19 =	sadd.s32 $0x8C00, s15  }
0x79: {  	[tilespmem:s19], [sflag:$0x1] =	stream.linear.gather [hbm4b:s14+s2], $0x80, $0x38;
	[tilespmem:$0x18000] =	vst v63  }
0x7a: {  	s14 =	sadd.s32 $0x200, s18;
	s19 =	sadd.s32 $0x9000, s15  }
0x7b: {  	[tilespmem:s19], [sflag:$0x1] =	stream.linear.gather [hbm4b:s14+s2], $0x80, $0x38;
	[tilespmem:$0x18000] =	vst v63  }
0x7c: {  	s14 =	sadd.s32 $0x280, s18;
	s19 =	sadd.s32 $0x9400, s15  }
0x7d: {  	[tilespmem:s19], [sflag:$0x1] =	stream.linear.gather [hbm4b:s14+s2], $0x80, $0x38;
	[tilespmem:$0x18000] =	vst v63  }
0x7e: {  	s14 =	sadd.s32 $0x300, s18;
	s19 =	sadd.s32 $0x9800, s15  }
0x7f: {  	[tilespmem:s19], [sflag:$0x1] =	stream.linear.gather [hbm4b:s14+s2], $0x80, $0x38;
	[tilespmem:$0x18000] =	vst v63  }
.Ltmp2:
0x80: {  	_ = 	snop;
	(pc) =	sbr.rel @p0 .LBB2_6-.Ltmp2, $4  }
0x81: {  	s15 =	sadd.s32 $0x9C00, s15;
	s14 =	sadd.s32 $0x380, s18  }
0x82: {  	[tilespmem:s15], [sflag:$0x1] =	stream.linear.gather [hbm4b:s14+s2], $0x80, $0x38;
	[tilespmem:$0x18000] =	vst v63  }
0x83: {  	s13 =	sadd.s32 $0x400, s13;
	s16 =	sand.u32 $0x380, s16;
	_ =	swait.ge [sflag:s10], $0x400  }
0x84: {  	s15 =	sand.u32 $0xE000, s13;
	s14 =	smov.u32 s17;
	[sflag:s10] =	ssyncset.done $0x0  }
0x85: {  	s14 =	sor.u32 s16, s15  }
0x86: {  	[sflag:s10] =	ssyncadd.s32 $0xFFFFFC00;
	s13 =	sadd.s32 s13, s9;
	s15 =	sadd.s32 $0x8000, s14  }
0x87: {  	[tilespmem:s15], [sflag:$0x1] =	stream.linear.gather [hbm4b:s13+s2], $0x80, $0x38;
	[tilespmem:$0x18000] =	vst v63  }
0x88: {  	s20 =	sadd.s32 $0x80, s13;
	s16 =	sadd.s32 $0x8400, s14  }
0x89: {  	[tilespmem:s16], [sflag:$0x1] =	stream.linear.gather [hbm4b:s20+s2], $0x80, $0x38;
	[tilespmem:$0x18000] =	vst v63  }
0x8a: {  	s21 =	sadd.s32 $0x100, s13;
	s22 =	sadd.s32 $0x8800, s14  }
0x8b: {  	[tilespmem:s22], [sflag:$0x1] =	stream.linear.gather [hbm4b:s21+s2], $0x80, $0x38;
	[tilespmem:$0x18000] =	vst v63  }
0x8c: {  	s23 =	sadd.s32 $0x180, s13;
	s24 =	sadd.s32 $0x8C00, s14  }
0x8d: {  	[tilespmem:s24], [sflag:$0x1] =	stream.linear.gather [hbm4b:s23+s2], $0x80, $0x38;
	[tilespmem:$0x18000] =	vst v63  }
0x8e: {  	s25 =	sadd.s32 $0x200, s13;
	s26 =	sadd.s32 $0x9000, s14  }
0x8f: {  	[tilespmem:s26], [sflag:$0x1] =	stream.linear.gather [hbm4b:s25+s2], $0x80, $0x38;
	[tilespmem:$0x18000] =	vst v63  }
0x90: {  	s28 =	sadd.s32 $0x280, s13;
	s29 =	sadd.s32 $0x9400, s14  }
0x91: {  	[tilespmem:s29], [sflag:$0x1] =	stream.linear.gather [hbm4b:s28+s2], $0x80, $0x38;
	[tilespmem:$0x18000] =	vst v63  }
0x92: {  	s30 =	sadd.s32 $0x300, s13;
	s31 =	sadd.s32 $0x9800, s14  }
0x93: {  	[tilespmem:s31], [sflag:$0x1] =	stream.linear.gather [hbm4b:s30+s2], $0x80, $0x38;
	[tilespmem:$0x18000] =	vst v63  }
0x94: {  	s14 =	sadd.s32 $0x9C00, s14;
	s13 =	sadd.s32 $0x380, s13  }
0x95: {  	[tilespmem:s14], [sflag:$0x1] =	stream.linear.gather [hbm4b:s13+s2], $0x80, $0x38;
	[tilespmem:$0x18000] =	vst v63  }
0x96: {  	s12 =	sadd.s32 $0x1, s12;
	_ =	swait.ge [sflag:s10], $0x400  }
0x97: {  	p0 =	sne.s32 s12, s5;
	[sflag:s10] =	ssyncset.done $0x0  }
.Ltmp3:
0x98: {  	[sflag:s10] =	ssyncadd.s32 $0xFFFFFC00;
	(pc) =	sbr.rel @p0 .LBB2_1-.Ltmp3, $4  }
0x99: {  	[hbm4b:s4+s2] =	stream.linear.scatter [tilespmem:s11], [sflag:$0x1], $0x10000, $0x38;
	[tilespmem:$0x18000] =	vst v63  }
0x9a: {  	_ =	swait.ge [sflag:s10], $0x10000  }
0x9b: {  	[sflag:s10] =	ssyncset.done $0x0  }
0x9c: {  	[sflag:s10] =	ssyncadd.s32 $0xFFFF0000  }
0x9d: {  	_ =	sfence.sel $0x180000  }
0x9e: {  	[bflag:$0x0] =	sbarrier.arrive $0xFFFF  }
0x9f: {  	p0 =	sne.s32 s1, $0x0;
	_ =	strace $0x90000047  }
0xa0: {  	s0 =	sadd.s32 @!p0 $0x100000, s0;
	[bflag:$0x2] =	sbarrier.arrive $0xFFFF  }
0xa1: {  	[sflag:s0] =	ssyncadd.tile.s32 @!p0 $0x1;
	_ =	shalt  }
.Lfunc_end2:
_tile_overlayer_lowered:
.L_overlay_start_2:
0xa2: {  	(tag) =	ssettag $0x2  }
0xa3: {  	s0 =	rddreg [dreg:$0x0];
	s2 =	stileid.u32  }
0xa4: {  	s1 =	rddreg [dreg:$0x1];
	p0 =	sne.s32 s2, $0x0  }
0xa5: {  	s3 =	rddreg [dreg:$0x2];
	[bflag:$0x3] =	sbarrier.arrive $0xFFFF;
	s2 =	simm.s32 @!p0 $0x1C01  }
0xa6: {  	[timem:s3], [sflag:s2] =	dma.local @!p0 [hbm:s0], s1  }
0xa7: {  	s0 =	simm.s32 @!p0 $0x1  }
0xa8: {  	_ =	swait.ge @!p0 [sflag:s0], s1  }
0xa9: {  	s1 =	ssub.s32 @!p0 $0x0, s1;
	[sflag:s0] =	ssyncset.done @!p0 $0x0  }
0xaa: {  	[sflag:s0] =	ssyncadd.s32 @!p0 s1  }
0xab: {  	[bflag:$0x3] =	sbarrier.arrive $0xFFFF  }
0xac: {  	_ =	shalt  }

</sc_bundles>
